<compile_context>
chip_gen: v7x
topology: tpu7x:2x2x1
jax: 0.10.2.dev20260603
libtpu: 0.0.44.dev20260713+nightly
codegen_flags: <defaults>
</compile_context>

<pallas_src>
import functools

import jax
import jax.numpy as jnp
from jax import lax
from jax.experimental import pallas as pl
from jax.experimental.pallas import tpu as pltpu
from jax.experimental.pallas import tpu_sc as plsc

B = 16384
NC = 1
NS = 16
NW = NC * NS
BPW = B // NW
LANES = 16
NBLK = B // 128
BLK_PER_W = BPW // 128


def _make_gather_kernel():
    mesh = plsc.VectorSubcoreMesh(core_axis_name="c", subcore_axis_name="s",
                                  num_cores=NC)

    @functools.partial(
        pl.kernel,
        mesh=mesh,
        compiler_params=pltpu.CompilerParams(needs_layout_passes=False),
        out_type=[
            jax.ShapeDtypeStruct((NBLK, 2, 128), jnp.float32),
            jax.ShapeDtypeStruct((NBLK, 2, 128), jnp.float32),
            jax.ShapeDtypeStruct((B,), jnp.float32),
            jax.ShapeDtypeStruct((B,), jnp.float32),
        ],
        scratch_types=[
            pltpu.VMEM((2, 4), jnp.float32),
            pltpu.VMEM((2,), jnp.float32),
            pltpu.VMEM((LANES,), jnp.float32),
            pltpu.VMEM((BPW,), jnp.int32),
            pltpu.VMEM((BLK_PER_W, 2, 128), jnp.float32),
            pltpu.VMEM((BLK_PER_W, 2, 128), jnp.float32),
            pltpu.VMEM((BPW,), jnp.float32),
            pltpu.VMEM((BPW,), jnp.float32),
            pltpu.SemaphoreType.DMA,
            pltpu.SemaphoreType.DMA,
        ],
    )
    def gather_add(dirs_hbm, v_hbm, act_hbm,
                   out_hbm, half_hbm, ones_hbm, zero_hbm,
                   dirs_v, vv_v, tab_v, idx_v, out_v, half_v, ones_v, zero_v,
                   sem_in, sem_out):
        wid = lax.axis_index("s") * NC + lax.axis_index("c")
        base = wid * BPW
        h_act = pltpu.async_copy(act_hbm.at[pl.ds(base, BPW)], idx_v, sem_in)
        h_dirs = pltpu.async_copy(dirs_hbm, dirs_v, sem_in)
        h_v = pltpu.async_copy(v_hbm, vv_v, sem_in)
        halves = jnp.full((LANES,), 0.5, dtype=jnp.float32)
        ones = jnp.full((LANES,), 1.0, dtype=jnp.float32)
        zeros = jnp.zeros((LANES,), dtype=jnp.float32)

        h_act.wait()
        h_dirs.wait()
        h_v.wait()
        lane = lax.iota(jnp.int32, LANES)
        row = lane // 2
        col = lane - row * 2
        tab_v[...] = (plsc.load_gather(dirs_v, [col, row])
                      + plsc.load_gather(vv_v, [col]))

        @plsc.parallel_loop(0, BPW // LANES, unroll=2)
        def body(k):
            t = k // 8
            off = (k - t * 8) * LANES
            a = idx_v[pl.ds(k * LANES, LANES)]
            i0 = a * 2
            g0 = plsc.load_gather(tab_v, [i0])
            g1 = plsc.load_gather(tab_v, [i0 + 1])
            out_v[t, 0, pl.ds(off, LANES)] = g0
            out_v[t, 1, pl.ds(off, LANES)] = g1
            half_v[t, 0, pl.ds(off, LANES)] = halves
            half_v[t, 1, pl.ds(off, LANES)] = halves
            ones_v[pl.ds(k * LANES, LANES)] = ones
            zero_v[pl.ds(k * LANES, LANES)] = zeros

        blk = pl.ds(wid * BLK_PER_W, BLK_PER_W)
        h_half = pltpu.async_copy(half_v, half_hbm.at[blk], sem_out)
        h_ones = pltpu.async_copy(ones_v, ones_hbm.at[pl.ds(base, BPW)], sem_out)
        h_zero = pltpu.async_copy(zero_v, zero_hbm.at[pl.ds(base, BPW)], sem_out)
        h_out = pltpu.async_copy(out_v, out_hbm.at[blk], sem_out)
        h_half.wait()
        h_ones.wait()
        h_zero.wait()
        h_out.wait()

    return gather_add


_gather_add = _make_gather_kernel()


def kernel(state, context, action, v, dirs):
    act_flat = action.reshape(B)
    out_blocks, half2, ones1, zero1 = _gather_add(dirs.T, v, act_flat)
    delta = out_blocks.transpose(0, 2, 1).reshape(B, 1, 2)
    halves = half2.transpose(0, 2, 1).reshape(B, 1, 2)
    weights = ones1.reshape(B, 1)
    resid = zero1
    return ((delta, halves), weights, resid)

# --- scband reference (transcript-rebuilt; emitter-appended) ---
"""Pipeline reference for scband-drift-dynamics-discrete-88613765251123 (READ-ONLY COPY).

The authoritative reference and input builder live on the scoring server;
editing this copy changes nothing except your own understanding.
"""

import jax, jax.numpy as jnp
import numpy as np

B = 16384

def setup_inputs(seed: int = 0) -> dict:
    key = jax.random.key(seed)
    k0, k1, k2, k3, k4 = jax.random.split(key, 5)
    state = jax.random.normal(k0, (B, 2), dtype=jnp.float32)
    context = jax.random.normal(k1, (B, 16), dtype=jnp.float32)
    action = jax.random.randint(k2, (B, 1), 0, 4, dtype=jnp.int32)
    # learned buffers from __init__
    v = jax.random.normal(k3, (2,), dtype=jnp.float32)
    dirs = jax.random.normal(k4, (4, 2), dtype=jnp.float32)
    return {"state": state, "context": context, "action": action, "v": v, "dirs": dirs}

def reference(state, context, action, v, dirs):
    # action_dir = self.dirs[action].squeeze(-2)
    action_dir = jnp.take(dirs, action, axis=0)          # [B, 1, 2]
    action_dir = jnp.squeeze(action_dir, axis=-2)        # [B, 2]
    delta = v + action_dir                               # [B, 2]
    delta = delta[..., None, :]                          # [B, 1, 2]
    weights = jnp.ones_like(delta[..., 0])               # [B, 1]
    return ((delta, 0.5 * jnp.ones_like(delta)), weights, jnp.zeros_like(state[..., 0]))

if __name__ == "__main__":
    import jax
    _d = setup_inputs()
    print(jax.jit(kernel)(*tuple(_d.values())))

</pallas_src>

<mosaic_0001>
#map = affine_map<(d0, d1) -> (0, 0)>
#map1 = affine_map<(d0, d1) -> (0)>
#map2 = affine_map<(d0, d1) -> (0, 0, 0)>
module attributes {stable_mosaic.version = 14 : i64} {
  func.func @gather_add(%arg0: i32, %arg1: i32, %arg2: memref<2x4xf32, #tpu.memory_space<hbm>>, %arg3: memref<2xf32, #tpu.memory_space<hbm>>, %arg4: memref<16384xi32, #tpu.memory_space<hbm>>, %arg5: memref<128x2x128xf32, #tpu.memory_space<hbm>>, %arg6: memref<128x2x128xf32, #tpu.memory_space<hbm>>, %arg7: memref<16384xf32, #tpu.memory_space<hbm>>, %arg8: memref<16384xf32, #tpu.memory_space<hbm>>, %arg9: memref<2x4xf32, #tpu.memory_space<vmem>>, %arg10: memref<2xf32, #tpu.memory_space<vmem>>, %arg11: memref<16xf32, #tpu.memory_space<vmem>>, %arg12: memref<1024xi32, #tpu.memory_space<vmem>>, %arg13: memref<8x2x128xf32, #tpu.memory_space<vmem>>, %arg14: memref<8x2x128xf32, #tpu.memory_space<vmem>>, %arg15: memref<1024xf32, #tpu.memory_space<vmem>>, %arg16: memref<1024xf32, #tpu.memory_space<vmem>>, %arg17: memref<!tpu.dma_semaphore, #tpu.memory_space<semaphore_mem>>, %arg18: memref<!tpu.dma_semaphore, #tpu.memory_space<semaphore_mem>>) attributes {dimension_semantics = [#tpu.dimension_semantics<core_parallel>, #tpu.dimension_semantics<subcore_parallel>], iteration_bounds = array<i64: 1, 16>, scalar_prefetch = 0 : i64, scratch_operands = 10 : i64, tpu.core_type = #tpu.core_type<sc_vector_subcore>, window_params = [{transform_indices = #map}, {transform_indices = #map1}, {transform_indices = #map1}, {transform_indices = #map2}, {transform_indices = #map2}, {transform_indices = #map1}, {transform_indices = #map1}]} {
    %mul3A = arith.constant 1 : i32
    %mul3A_0 = arith.muli %arg1, %mul3A : i32
    %add3A = arith.addi %mul3A_0, %arg0 : i32
    %mul3A_1 = arith.constant 1024 : i32
    %mul3A_2 = arith.muli %add3A, %mul3A_1 : i32
    %dma_start3A = tpu.memref_slice %arg4[%mul3A_2] : memref<16384xi32, #tpu.memory_space<hbm>> -> memref<1024xi32, #tpu.memory_space<hbm>>
    %dma_start3A_3 = tpu.memref_slice %arg4[%mul3A_2] : memref<16384xi32, #tpu.memory_space<hbm>> -> memref<1024xi32, #tpu.memory_space<hbm>>
    tpu.enqueue_dma source(%dma_start3A_3 : memref<1024xi32, #tpu.memory_space<hbm>>) target(%arg12 : memref<1024xi32, #tpu.memory_space<vmem>>) target_semaphore(%arg17 : memref<!tpu.dma_semaphore, #tpu.memory_space<semaphore_mem>>)
    tpu.enqueue_dma source(%arg2 : memref<2x4xf32, #tpu.memory_space<hbm>>) target(%arg9 : memref<2x4xf32, #tpu.memory_space<vmem>>) target_semaphore(%arg17 : memref<!tpu.dma_semaphore, #tpu.memory_space<semaphore_mem>>)
    tpu.enqueue_dma source(%arg3 : memref<2xf32, #tpu.memory_space<hbm>>) target(%arg10 : memref<2xf32, #tpu.memory_space<vmem>>) target_semaphore(%arg17 : memref<!tpu.dma_semaphore, #tpu.memory_space<semaphore_mem>>)
    %broadcast_in_dim3A = arith.constant 5.000000e-01 : f32
    %broadcast_in_dim3A_4 = vector.broadcast %broadcast_in_dim3A : f32 to vector<16xf32>
    %broadcast_in_dim3A_5 = arith.constant 1.000000e+00 : f32
    %broadcast_in_dim3A_6 = vector.broadcast %broadcast_in_dim3A_5 : f32 to vector<16xf32>
    %broadcast_in_dim3A_7 = arith.constant 0.000000e+00 : f32
    %broadcast_in_dim3A_8 = vector.broadcast %broadcast_in_dim3A_7 : f32 to vector<16xf32>
    %dma_wait3A = tpu.memref_slice %arg4[%mul3A_2] : memref<16384xi32, #tpu.memory_space<hbm>> -> memref<1024xi32, #tpu.memory_space<hbm>>
    %dma_wait3A_9 = tpu.memref_slice %arg4[%mul3A_2] : memref<16384xi32, #tpu.memory_space<hbm>> -> memref<1024xi32, #tpu.memory_space<hbm>>
    tpu.wait_dma2 semaphore(%arg17 : memref<!tpu.dma_semaphore, #tpu.memory_space<semaphore_mem>>) src(%dma_wait3A_9 : memref<1024xi32, #tpu.memory_space<hbm>>) dst(%arg12 : memref<1024xi32, #tpu.memory_space<vmem>>)
    tpu.wait_dma2 semaphore(%arg17 : memref<!tpu.dma_semaphore, #tpu.memory_space<semaphore_mem>>) src(%arg2 : memref<2x4xf32, #tpu.memory_space<hbm>>) dst(%arg9 : memref<2x4xf32, #tpu.memory_space<vmem>>)
    tpu.wait_dma2 semaphore(%arg17 : memref<!tpu.dma_semaphore, #tpu.memory_space<semaphore_mem>>) src(%arg3 : memref<2xf32, #tpu.memory_space<hbm>>) dst(%arg10 : memref<2xf32, #tpu.memory_space<vmem>>)
    %iota3A = tpu.iota {dimensions = array<i32: 0>} : vector<16xi32>
    %jit3A = arith.constant 2 : i32
    %div3A = vector.broadcast %jit3A : i32 to vector<16xi32>
    %div3A_10 = arith.divsi %iota3A, %div3A : vector<16xi32>
    %sign3A = arith.constant 0 : i32
    %sign3A_11 = vector.broadcast %sign3A : i32 to vector<16xi32>
    %sign3A_12 = arith.cmpi sgt, %iota3A, %sign3A_11 : vector<16xi32>
    %sign3A_13 = arith.extui %sign3A_12 : vector<16xi1> to vector<16xi32>
    %sign3A_14 = arith.constant 0 : i32
    %sign3A_15 = vector.broadcast %sign3A_14 : i32 to vector<16xi32>
    %sign3A_16 = arith.cmpi slt, %iota3A, %sign3A_15 : vector<16xi32>
    %sign3A_17 = arith.extui %sign3A_16 : vector<16xi1> to vector<16xi32>
    %sign3A_18 = arith.subi %sign3A_13, %sign3A_17 : vector<16xi32>
    %sign3A_19 = arith.constant 0 : i32
    %sign3A_20 = arith.cmpi sgt, %jit3A, %sign3A_19 : i32
    %sign3A_21 = arith.extui %sign3A_20 : i1 to i32
    %sign3A_22 = arith.constant 0 : i32
    %sign3A_23 = arith.cmpi slt, %jit3A, %sign3A_22 : i32
    %sign3A_24 = arith.extui %sign3A_23 : i1 to i32
    %sign3A_25 = arith.subi %sign3A_21, %sign3A_24 : i32
    %ne3A = vector.broadcast %sign3A_25 : i32 to vector<16xi32>
    %ne3A_26 = arith.cmpi ne, %sign3A_18, %ne3A : vector<16xi32>
    %rem3A = vector.broadcast %jit3A : i32 to vector<16xi32>
    %rem3A_27 = arith.remsi %iota3A, %rem3A : vector<16xi32>
    %ne3A_28 = arith.constant 0 : i32
    %ne3A_29 = vector.broadcast %ne3A_28 : i32 to vector<16xi32>
    %ne3A_30 = arith.cmpi ne, %rem3A_27, %ne3A_29 : vector<16xi32>
    %and3A = arith.andi %ne3A_26, %ne3A_30 : vector<16xi1>
    %sub3A = arith.constant 1 : i32
    %sub3A_31 = vector.broadcast %sub3A : i32 to vector<16xi32>
    %sub3A_32 = arith.subi %div3A_10, %sub3A_31 : vector<16xi32>
    %select_n3A = arith.select %and3A, %sub3A_32, %div3A_10 : vector<16xi1>, vector<16xi32>
    %mul3A_33 = arith.constant 2 : i32
    %mul3A_34 = vector.broadcast %mul3A_33 : i32 to vector<16xi32>
    %mul3A_35 = arith.muli %select_n3A, %mul3A_34 : vector<16xi32>
    %sub3A_36 = arith.subi %iota3A, %mul3A_35 : vector<16xi32>
    %gather3A = tpu.vector_load_idx %arg9[%sub3A_36, %select_n3A] : memref<2x4xf32, #tpu.memory_space<vmem>>[vector<16xi32>, vector<16xi32>], vector<16xf32>,
    %gather3A_37 = tpu.vector_load_idx %arg10[%sub3A_36] : memref<2xf32, #tpu.memory_space<vmem>>[vector<16xi32>], vector<16xf32>,
    %add3A_38 = arith.addf %gather3A, %gather3A_37 : vector<16xf32>
    %swap3A = arith.constant 0 : index
    %swap3A_39 = tpu.vector_load %arg11[%swap3A] {strides = array<i32>} : memref<16xf32, #tpu.memory_space<vmem>>, vector<16xf32>,
    tpu.vector_store %arg11[%swap3A], %add3A_38 {strides = array<i32>} : memref<16xf32, #tpu.memory_space<vmem>>, vector<16xf32>,
    %parallel_loop3A = arith.constant 0 : i32
    %parallel_loop3A_40 = arith.constant 64 : i32
    %parallel_loop3A_41 = arith.constant 1 : i32
    scf.for %parallel_loop3A_76 = %parallel_loop3A to %parallel_loop3A_40 step %parallel_loop3A_41  : i32 {
      %parallel_loop3A_77 = arith.constant 8 : i32
      %parallel_loop3A_78 = arith.divsi %parallel_loop3A_76, %parallel_loop3A_77 : i32
      %parallel_loop3A_79 = arith.constant 0 : i32
      %parallel_loop3A_80 = arith.cmpi sgt, %parallel_loop3A_76, %parallel_loop3A_79 : i32
      %parallel_loop3A_81 = arith.extui %parallel_loop3A_80 : i1 to i32
      %parallel_loop3A_82 = arith.constant 0 : i32
      %parallel_loop3A_83 = arith.cmpi slt, %parallel_loop3A_76, %parallel_loop3A_82 : i32
      %parallel_loop3A_84 = arith.extui %parallel_loop3A_83 : i1 to i32
      %parallel_loop3A_85 = arith.subi %parallel_loop3A_81, %parallel_loop3A_84 : i32
      %parallel_loop3A_86 = arith.constant 0 : i32
      %parallel_loop3A_87 = arith.cmpi sgt, %parallel_loop3A_77, %parallel_loop3A_86 : i32
      %parallel_loop3A_88 = arith.extui %parallel_loop3A_87 : i1 to i32
      %parallel_loop3A_89 = arith.constant 0 : i32
      %parallel_loop3A_90 = arith.cmpi slt, %parallel_loop3A_77, %parallel_loop3A_89 : i32
      %parallel_loop3A_91 = arith.extui %parallel_loop3A_90 : i1 to i32
      %parallel_loop3A_92 = arith.subi %parallel_loop3A_88, %parallel_loop3A_91 : i32
      %parallel_loop3A_93 = arith.cmpi ne, %parallel_loop3A_85, %parallel_loop3A_92 : i32
      %parallel_loop3A_94 = arith.remsi %parallel_loop3A_76, %parallel_loop3A_77 : i32
      %parallel_loop3A_95 = arith.constant 0 : i32
      %parallel_loop3A_96 = arith.cmpi ne, %parallel_loop3A_94, %parallel_loop3A_95 : i32
      %parallel_loop3A_97 = arith.andi %parallel_loop3A_93, %parallel_loop3A_96 : i1
      %parallel_loop3A_98 = arith.constant 1 : i32
      %parallel_loop3A_99 = arith.subi %parallel_loop3A_78, %parallel_loop3A_98 : i32
      %parallel_loop3A_100 = arith.select %parallel_loop3A_97, %parallel_loop3A_99, %parallel_loop3A_78 : i32
      %parallel_loop3A_101 = arith.constant 8 : i32
      %parallel_loop3A_102 = arith.muli %parallel_loop3A_100, %parallel_loop3A_101 : i32
      %parallel_loop3A_103 = arith.subi %parallel_loop3A_76, %parallel_loop3A_102 : i32
      %parallel_loop3A_104 = arith.constant 16 : i32
      %parallel_loop3A_105 = arith.muli %parallel_loop3A_103, %parallel_loop3A_104 : i32
      %parallel_loop3A_106 = arith.constant 16 : i32
      %parallel_loop3A_107 = arith.muli %parallel_loop3A_76, %parallel_loop3A_106 : i32
      %parallel_loop3A_108 = arith.index_cast %parallel_loop3A_107 : i32 to index
      %parallel_loop3A_109 = tpu.vector_load %arg12[%parallel_loop3A_108] {strides = array<i32>} : memref<1024xi32, #tpu.memory_space<vmem>>, vector<16xi32>,
      %parallel_loop3A_110 = arith.constant 2 : i32
      %parallel_loop3A_111 = vector.broadcast %parallel_loop3A_110 : i32 to vector<16xi32>
      %parallel_loop3A_112 = arith.muli %parallel_loop3A_109, %parallel_loop3A_111 : vector<16xi32>
      %parallel_loop3A_113 = tpu.vector_load_idx %arg11[%parallel_loop3A_112] : memref<16xf32, #tpu.memory_space<vmem>>[vector<16xi32>], vector<16xf32>,
      %parallel_loop3A_114 = arith.constant 1 : i32
      %parallel_loop3A_115 = vector.broadcast %parallel_loop3A_114 : i32 to vector<16xi32>
      %parallel_loop3A_116 = arith.addi %parallel_loop3A_112, %parallel_loop3A_115 : vector<16xi32>
      %parallel_loop3A_117 = tpu.vector_load_idx %arg11[%parallel_loop3A_116] : memref<16xf32, #tpu.memory_space<vmem>>[vector<16xi32>], vector<16xf32>,
      %parallel_loop3A_118 = arith.constant 0 : i32
      %parallel_loop3A_119 = arith.index_cast %parallel_loop3A_100 : i32 to index
      %parallel_loop3A_120 = arith.index_cast %parallel_loop3A_118 : i32 to index
      %parallel_loop3A_121 = arith.index_cast %parallel_loop3A_105 : i32 to index
      %parallel_loop3A_122 = tpu.vector_load %arg13[%parallel_loop3A_119, %parallel_loop3A_120, %parallel_loop3A_121] {strides = array<i32>} : memref<8x2x128xf32, #tpu.memory_space<vmem>>, vector<16xf32>,
      tpu.vector_store %arg13[%parallel_loop3A_119, %parallel_loop3A_120, %parallel_loop3A_121], %parallel_loop3A_113 {strides = array<i32>} : memref<8x2x128xf32, #tpu.memory_space<vmem>>, vector<16xf32>,
      %parallel_loop3A_123 = arith.constant 1 : i32
      %parallel_loop3A_124 = arith.index_cast %parallel_loop3A_100 : i32 to index
      %parallel_loop3A_125 = arith.index_cast %parallel_loop3A_123 : i32 to index
      %parallel_loop3A_126 = arith.index_cast %parallel_loop3A_105 : i32 to index
      %parallel_loop3A_127 = tpu.vector_load %arg13[%parallel_loop3A_124, %parallel_loop3A_125, %parallel_loop3A_126] {strides = array<i32>} : memref<8x2x128xf32, #tpu.memory_space<vmem>>, vector<16xf32>,
      tpu.vector_store %arg13[%parallel_loop3A_124, %parallel_loop3A_125, %parallel_loop3A_126], %parallel_loop3A_117 {strides = array<i32>} : memref<8x2x128xf32, #tpu.memory_space<vmem>>, vector<16xf32>,
      %parallel_loop3A_128 = arith.constant 0 : i32
      %parallel_loop3A_129 = arith.index_cast %parallel_loop3A_100 : i32 to index
      %parallel_loop3A_130 = arith.index_cast %parallel_loop3A_128 : i32 to index
      %parallel_loop3A_131 = arith.index_cast %parallel_loop3A_105 : i32 to index
      %parallel_loop3A_132 = tpu.vector_load %arg14[%parallel_loop3A_129, %parallel_loop3A_130, %parallel_loop3A_131] {strides = array<i32>} : memref<8x2x128xf32, #tpu.memory_space<vmem>>, vector<16xf32>,
      tpu.vector_store %arg14[%parallel_loop3A_129, %parallel_loop3A_130, %parallel_loop3A_131], %broadcast_in_dim3A_4 {strides = array<i32>} : memref<8x2x128xf32, #tpu.memory_space<vmem>>, vector<16xf32>,
      %parallel_loop3A_133 = arith.constant 1 : i32
      %parallel_loop3A_134 = arith.index_cast %parallel_loop3A_100 : i32 to index
      %parallel_loop3A_135 = arith.index_cast %parallel_loop3A_133 : i32 to index
      %parallel_loop3A_136 = arith.index_cast %parallel_loop3A_105 : i32 to index
      %parallel_loop3A_137 = tpu.vector_load %arg14[%parallel_loop3A_134, %parallel_loop3A_135, %parallel_loop3A_136] {strides = array<i32>} : memref<8x2x128xf32, #tpu.memory_space<vmem>>, vector<16xf32>,
      tpu.vector_store %arg14[%parallel_loop3A_134, %parallel_loop3A_135, %parallel_loop3A_136], %broadcast_in_dim3A_4 {strides = array<i32>} : memref<8x2x128xf32, #tpu.memory_space<vmem>>, vector<16xf32>,
      %parallel_loop3A_138 = arith.constant 16 : i32
      %parallel_loop3A_139 = arith.muli %parallel_loop3A_76, %parallel_loop3A_138 : i32
      %parallel_loop3A_140 = arith.index_cast %parallel_loop3A_139 : i32 to index
      %parallel_loop3A_141 = tpu.vector_load %arg15[%parallel_loop3A_140] {strides = array<i32>} : memref<1024xf32, #tpu.memory_space<vmem>>, vector<16xf32>,
      tpu.vector_store %arg15[%parallel_loop3A_140], %broadcast_in_dim3A_6 {strides = array<i32>} : memref<1024xf32, #tpu.memory_space<vmem>>, vector<16xf32>,
      %parallel_loop3A_142 = arith.constant 16 : i32
      %parallel_loop3A_143 = arith.muli %parallel_loop3A_76, %parallel_loop3A_142 : i32
      %parallel_loop3A_144 = arith.index_cast %parallel_loop3A_143 : i32 to index
      %parallel_loop3A_145 = tpu.vector_load %arg16[%parallel_loop3A_144] {strides = array<i32>} : memref<1024xf32, #tpu.memory_space<vmem>>, vector<16xf32>,
      tpu.vector_store %arg16[%parallel_loop3A_144], %broadcast_in_dim3A_8 {strides = array<i32>} : memref<1024xf32, #tpu.memory_space<vmem>>, vector<16xf32>,
    } {sc.loop_unroll_factor = 2 : i64, sc.parallel_access}
    %mul3A_42 = arith.constant 8 : i32
    %mul3A_43 = arith.muli %add3A, %mul3A_42 : i32
    %dma_start3A_44 = arith.constant 0 : i32
    %dma_start3A_45 = arith.constant 0 : i32
    %dma_start3A_46 = tpu.memref_slice %arg6[%mul3A_43, %dma_start3A_44, %dma_start3A_45] : memref<128x2x128xf32, #tpu.memory_space<hbm>> -> memref<8x2x128xf32, #tpu.memory_space<hbm>>
    %dma_start3A_47 = arith.constant 0 : i32
    %dma_start3A_48 = arith.constant 0 : i32
    %dma_start3A_49 = tpu.memref_slice %arg6[%mul3A_43, %dma_start3A_47, %dma_start3A_48] : memref<128x2x128xf32, #tpu.memory_space<hbm>> -> memref<8x2x128xf32, #tpu.memory_space<hbm>>
    tpu.enqueue_dma source(%arg14 : memref<8x2x128xf32, #tpu.memory_space<vmem>>) target(%dma_start3A_49 : memref<8x2x128xf32, #tpu.memory_space<hbm>>) target_semaphore(%arg18 : memref<!tpu.dma_semaphore, #tpu.memory_space<semaphore_mem>>)
    %dma_start3A_50 = tpu.memref_slice %arg7[%mul3A_2] : memref<16384xf32, #tpu.memory_space<hbm>> -> memref<1024xf32, #tpu.memory_space<hbm>>
    %dma_start3A_51 = tpu.memref_slice %arg7[%mul3A_2] : memref<16384xf32, #tpu.memory_space<hbm>> -> memref<1024xf32, #tpu.memory_space<hbm>>
    tpu.enqueue_dma source(%arg15 : memref<1024xf32, #tpu.memory_space<vmem>>) target(%dma_start3A_51 : memref<1024xf32, #tpu.memory_space<hbm>>) target_semaphore(%arg18 : memref<!tpu.dma_semaphore, #tpu.memory_space<semaphore_mem>>)
    %dma_start3A_52 = tpu.memref_slice %arg8[%mul3A_2] : memref<16384xf32, #tpu.memory_space<hbm>> -> memref<1024xf32, #tpu.memory_space<hbm>>
    %dma_start3A_53 = tpu.memref_slice %arg8[%mul3A_2] : memref<16384xf32, #tpu.memory_space<hbm>> -> memref<1024xf32, #tpu.memory_space<hbm>>
    tpu.enqueue_dma source(%arg16 : memref<1024xf32, #tpu.memory_space<vmem>>) target(%dma_start3A_53 : memref<1024xf32, #tpu.memory_space<hbm>>) target_semaphore(%arg18 : memref<!tpu.dma_semaphore, #tpu.memory_space<semaphore_mem>>)
    %dma_start3A_54 = arith.constant 0 : i32
    %dma_start3A_55 = arith.constant 0 : i32
    %dma_start3A_56 = tpu.memref_slice %arg5[%mul3A_43, %dma_start3A_54, %dma_start3A_55] : memref<128x2x128xf32, #tpu.memory_space<hbm>> -> memref<8x2x128xf32, #tpu.memory_space<hbm>>
    %dma_start3A_57 = arith.constant 0 : i32
    %dma_start3A_58 = arith.constant 0 : i32
    %dma_start3A_59 = tpu.memref_slice %arg5[%mul3A_43, %dma_start3A_57, %dma_start3A_58] : memref<128x2x128xf32, #tpu.memory_space<hbm>> -> memref<8x2x128xf32, #tpu.memory_space<hbm>>
    tpu.enqueue_dma source(%arg13 : memref<8x2x128xf32, #tpu.memory_space<vmem>>) target(%dma_start3A_59 : memref<8x2x128xf32, #tpu.memory_space<hbm>>) target_semaphore(%arg18 : memref<!tpu.dma_semaphore, #tpu.memory_space<semaphore_mem>>)
    %dma_wait3A_60 = arith.constant 0 : i32
    %dma_wait3A_61 = arith.constant 0 : i32
    %dma_wait3A_62 = tpu.memref_slice %arg6[%mul3A_43, %dma_wait3A_60, %dma_wait3A_61] : memref<128x2x128xf32, #tpu.memory_space<hbm>> -> memref<8x2x128xf32, #tpu.memory_space<hbm>>
    %dma_wait3A_63 = arith.constant 0 : i32
    %dma_wait3A_64 = arith.constant 0 : i32
    %dma_wait3A_65 = tpu.memref_slice %arg6[%mul3A_43, %dma_wait3A_63, %dma_wait3A_64] : memref<128x2x128xf32, #tpu.memory_space<hbm>> -> memref<8x2x128xf32, #tpu.memory_space<hbm>>
    tpu.wait_dma2 semaphore(%arg18 : memref<!tpu.dma_semaphore, #tpu.memory_space<semaphore_mem>>) src(%arg14 : memref<8x2x128xf32, #tpu.memory_space<vmem>>) dst(%dma_wait3A_65 : memref<8x2x128xf32, #tpu.memory_space<hbm>>)
    %dma_wait3A_66 = tpu.memref_slice %arg7[%mul3A_2] : memref<16384xf32, #tpu.memory_space<hbm>> -> memref<1024xf32, #tpu.memory_space<hbm>>
    %dma_wait3A_67 = tpu.memref_slice %arg7[%mul3A_2] : memref<16384xf32, #tpu.memory_space<hbm>> -> memref<1024xf32, #tpu.memory_space<hbm>>
    tpu.wait_dma2 semaphore(%arg18 : memref<!tpu.dma_semaphore, #tpu.memory_space<semaphore_mem>>) src(%arg15 : memref<1024xf32, #tpu.memory_space<vmem>>) dst(%dma_wait3A_67 : memref<1024xf32, #tpu.memory_space<hbm>>)
    %dma_wait3A_68 = tpu.memref_slice %arg8[%mul3A_2] : memref<16384xf32, #tpu.memory_space<hbm>> -> memref<1024xf32, #tpu.memory_space<hbm>>
    %dma_wait3A_69 = tpu.memref_slice %arg8[%mul3A_2] : memref<16384xf32, #tpu.memory_space<hbm>> -> memref<1024xf32, #tpu.memory_space<hbm>>
    tpu.wait_dma2 semaphore(%arg18 : memref<!tpu.dma_semaphore, #tpu.memory_space<semaphore_mem>>) src(%arg16 : memref<1024xf32, #tpu.memory_space<vmem>>) dst(%dma_wait3A_69 : memref<1024xf32, #tpu.memory_space<hbm>>)
    %dma_wait3A_70 = arith.constant 0 : i32
    %dma_wait3A_71 = arith.constant 0 : i32
    %dma_wait3A_72 = tpu.memref_slice %arg5[%mul3A_43, %dma_wait3A_70, %dma_wait3A_71] : memref<128x2x128xf32, #tpu.memory_space<hbm>> -> memref<8x2x128xf32, #tpu.memory_space<hbm>>
    %dma_wait3A_73 = arith.constant 0 : i32
    %dma_wait3A_74 = arith.constant 0 : i32
    %dma_wait3A_75 = tpu.memref_slice %arg5[%mul3A_43, %dma_wait3A_73, %dma_wait3A_74] : memref<128x2x128xf32, #tpu.memory_space<hbm>> -> memref<8x2x128xf32, #tpu.memory_space<hbm>>
    tpu.wait_dma2 semaphore(%arg18 : memref<!tpu.dma_semaphore, #tpu.memory_space<semaphore_mem>>) src(%arg13 : memref<8x2x128xf32, #tpu.memory_space<vmem>>) dst(%dma_wait3A_75 : memref<8x2x128xf32, #tpu.memory_space<hbm>>)
    return
  }
}

</mosaic_0001>

<sc_bundles>
// kernel: kernel.3.cloned.1.call-start
scs
__scs_entry_jumppad:
0x0: {  	(pc) =	sbr.rel $0x88, $3  }
0x1: {  	(tag) =	ssettag $0x0;
	lr =	simm.s32 $0x1  }
0x2: {  	[smem:$0x3F9E] =	sst lr;
	_ =	strace $0xD0000000  }
0x3: {  	_ = 	snop  }
0x4: {  	_ = 	snop  }
0x5: {  	_ = 	snop  }
0x6: {  	_ = 	snop  }
0x7: {  	_ = 	snop  }
__scs_overlays_trampoline_lowered:
0x8: {  	[smem:$0x3FAD] =	sst s0  }
0x9: {  	[smem:$0x3FAE] =	sst s1  }
0xa: {  	[smem:$0x3FAF] =	sst s2  }
0xb: {  	[smem:$0x3FB0] =	sst s3  }
0xc: {  	[smem:$0x3FB1] =	sst s4  }
0xd: {  	[smem:$0x3FB2] =	sst s5  }
0xe: {  	[smem:$0x3FB3] =	sst s6  }
0xf: {  	[smem:$0x3FB4] =	sst s7  }
0x10: {  	[smem:$0x3FB5] =	sst s8  }
0x11: {  	[smem:$0x3FB6] =	sst s9;
	s0 =	simm.s32 @!p0 $0x0  }
0x12: {  	s1 =	sld [smem:$0x3F9C];
	s0 =	simm.s32 @p0 $0x1  }
0x13: {  	[smem:$0x3FB7] =	sst s0;
	s0 =	simm.s32 @!p1 $0x0  }
0x14: {  	s2 =	sld [smem:$0x3F9B];
	s0 =	simm.s32 @p1 $0x1  }
0x15: {  	[smem:$0x3FB8] =	sst s0;
	s0 =	simm.s32 @!p2 $0x0  }
0x16: {  	s3 =	sld [smem:$0x3FDB];
	s0 =	simm.s32 @p2 $0x1  }
0x17: {  	s4 =	simm.s32 $0x1BF5;
	[smem:$0x3FBA] =	sst s0  }
0x18: {  	s0 =	sld [smem:$0x3F9D];
	_ =	swait.ge [sflag:s4], $0x0  }
0x19: {  	s7 =	sld [smem:$0x3F9E]  }
0x1a: {  	s8 =	sadd.s32 $0xFFFFE003, lr  }
0x1b: {  	s9 =	sadd.s32 $0xFFFFFEF7, lr;
	s5 =	simm.s32 $0xFFFFFFFF;
	p2 =	slt.u32 s8, $0xFFFFF086  }
0x1c: {  	p1 =	slt.u32 s9, $0xF7A;
	s5 =	simm.s32 @!p2 $0x0  }
0x1d: {  	s5 =	simm.s32 @p1 $0x1;
	p0 =	seq.s32 s7, s2  }
0x1e: {  	s7 =	smul.u32 @!p0 $0xF7A, s2;
	p2 =	seq.s32 @!p0 s5, $0x0  }
0x1f: {  	s9 =	smul.u32 $0xF7A, s1;
	s8 =	simm.s32 @!p0 $0x1BF5;
	p2 =	por !p2, p0  }
0x20: {  	[sflag:s8] =	ssyncset.s32 @!p0 $0xFFFFF086;
	s6 =	sadd.s32 @!p0 s3, s7;
	s7 =	simm.s32 @!p0 $0x108  }
0x21: {  	s3 =	sadd.s32 s3, s9;
	s6 =	sadd.s32 @!p0 $0x88, s6;
	s7 =	simm.s32 @p2 $0x1082  }
0x22: {  	[simem:s7], [sflag:s8] =	dma.local @!p0 [hbm:s6], $0xF7A  }
0x23: {  	s9 =	sor.u32 $0xD0000000, s2;
	s6 =	simm.s32 $0x108;
	_ =	swait.ge @!p0 [sflag:s8], $0x0  }
0x24: {  	s3 =	sadd.s32 $0x88, s3;
	s6 =	simm.s32 @!p1 $0x1082;
	[sflag:s4] =	ssyncset.s32 $0xFFFFF086  }
0x25: {  	[simem:s6], [sflag:s4] =	dma.local [hbm:s3], $0xF7A  }
0x26: {  	[smem:$0x3F9E] =	sst s1;
	(tag) =	ssettag s2;
	_ =	strace s9  }
0x27: {  	s1 =	sld [smem:$0x3FAE]  }
0x28: {  	s2 =	sld [smem:$0x3FAF]  }
0x29: {  	s4 =	sld [smem:$0x3FB1]  }
0x2a: {  	p0 =	seq.s32 s5, $0x0;
	s5 =	sld [smem:$0x3FB2]  }
0x2b: {  	s6 =	sld [smem:$0x3FB3]  }
0x2c: {  	s7 =	sld [smem:$0x3FB4]  }
0x2d: {  	s3 =	simm.s32 $0x108;
	s8 =	sld [smem:$0x3FB5]  }
0x2e: {  	s3 =	simm.s32 @!p0 $0x1082;
	s9 =	sld [smem:$0x3FB6]  }
0x2f: {  	lr =	sadd.s32 s0, s3;
	s0 =	sld [smem:$0x3FAD]  }
0x30: {  	s3 =	sld [smem:$0x3FB0]  }
0x31: {  	[smem:$0x3FB9] =	sst s10  }
0x32: {  	s10 =	sld [smem:$0x3FB7];
	_ =	sdelay $0x3  }
0x33: {  	p0 =	seq.s32 s10, $0x1;
	s10 =	sld [smem:$0x3FB9];
	_ =	sdelay $0x3  }
0x34: {  	[smem:$0x3FB9] =	sst s10  }
0x35: {  	s10 =	sld [smem:$0x3FB8];
	_ =	sdelay $0x3  }
0x36: {  	p1 =	seq.s32 s10, $0x1;
	s10 =	sld [smem:$0x3FB9];
	_ =	sdelay $0x3  }
0x37: {  	[smem:$0x3FB9] =	sst s10  }
0x38: {  	s10 =	sld [smem:$0x3FBA]  }
0x39: {  	_ = 	snop;
	(pc) =	sbr.ind lr, $3  }
0x3a: {  	_ = 	snop  }
0x3b: {  	_ = 	snop  }
0x3c: {  	p2 =	seq.s32 s10, $0x1;
	s10 =	sld [smem:$0x3FB9]  }
0x3d: {  	_ =	shalt  }
0x3e: {  	_ =	shalt  }
0x3f: {  	_ =	shalt  }
0x40: {  	_ =	shalt  }
0x41: {  	_ =	shalt  }
0x42: {  	_ =	shalt  }
0x43: {  	_ =	shalt  }
0x44: {  	_ =	shalt  }
0x45: {  	_ =	shalt  }
0x46: {  	_ =	shalt  }
0x47: {  	_ =	shalt  }
0x48: {  	_ =	shalt  }
0x49: {  	_ =	shalt  }
0x4a: {  	_ =	shalt  }
0x4b: {  	_ =	shalt  }
0x4c: {  	_ =	shalt  }
0x4d: {  	_ =	shalt  }
0x4e: {  	_ =	shalt  }
0x4f: {  	_ =	shalt  }
0x50: {  	_ =	shalt  }
0x51: {  	_ =	shalt  }
0x52: {  	_ =	shalt  }
0x53: {  	_ =	shalt  }
0x54: {  	_ =	shalt  }
0x55: {  	_ =	shalt  }
0x56: {  	_ =	shalt  }
0x57: {  	_ =	shalt  }
0x58: {  	_ =	shalt  }
0x59: {  	_ =	shalt  }
0x5a: {  	_ =	shalt  }
0x5b: {  	_ =	shalt  }
0x5c: {  	_ =	shalt  }
0x5d: {  	_ =	shalt  }
0x5e: {  	_ =	shalt  }
0x5f: {  	_ =	shalt  }
0x60: {  	_ =	shalt  }
0x61: {  	_ =	shalt  }
0x62: {  	_ =	shalt  }
0x63: {  	_ =	shalt  }
0x64: {  	_ =	shalt  }
0x65: {  	_ =	shalt  }
0x66: {  	_ =	shalt  }
0x67: {  	_ =	shalt  }
0x68: {  	_ =	shalt  }
0x69: {  	_ =	shalt  }
0x6a: {  	_ =	shalt  }
0x6b: {  	_ =	shalt  }
0x6c: {  	_ =	shalt  }
0x6d: {  	_ =	shalt  }
0x6e: {  	_ =	shalt  }
0x6f: {  	_ =	shalt  }
0x70: {  	_ =	shalt  }
0x71: {  	_ =	shalt  }
0x72: {  	_ =	shalt  }
0x73: {  	_ =	shalt  }
0x74: {  	_ =	shalt  }
0x75: {  	_ =	shalt  }
0x76: {  	_ =	shalt  }
0x77: {  	_ =	shalt  }
0x78: {  	_ =	shalt  }
0x79: {  	_ =	shalt  }
0x7a: {  	_ =	shalt  }
0x7b: {  	_ =	shalt  }
0x7c: {  	_ =	shalt  }
0x7d: {  	_ =	shalt  }
0x7e: {  	_ =	shalt  }
0x7f: {  	_ =	shalt  }
0x80: {  	_ =	shalt  }
0x81: {  	_ =	shalt  }
0x82: {  	_ =	shalt  }
0x83: {  	_ =	shalt  }
0x84: {  	_ =	shalt  }
0x85: {  	_ =	shalt  }
0x86: {  	_ =	shalt  }
0x87: {  	_ =	shalt  }
.Lfunc_end0:
.L_simem_size_0:
called_computation_lowered:
.L_overlay_start_0:
0x88: {  	s0 =	sld [smem:$0x3FD9]  }
0x89: {  	s1 =	sld [smem:$0x3FFE];
	_ =	sdelay $0x3  }
0x8a: {  	s0 =	sadd.s32 s1, s0  }
0x8b: {  	[smem:$0x3FC5] =	sst s0  }
0x8c: {  	_ = 	snop  }
0x8d: {  	s0 =	sld [smem:$0x3FD0]  }
0x8e: {  	s14 =	sld [smem:$0x3FC9]  }
0x8f: {  	s2 =	sld [smem:$0x3FC8]  }
0x90: {  	s4 =	simm.s32 $0xA;
	s5 =	simm.s32 $0x10;
	s3 =	sld [smem:$0x3FC7]  }
0x91: {  	[smem:s5], [sflag:s4] =	dma.local [hbm:s0], $0x1  }
0x92: {  	_ =	swait.eq [sflag:s4], $0x1  }
0x93: {  	s15 =	sld [smem:$0x10]  }
0x94: {  	s16 =	sld [smem:$0x11];
	[sflag:s4] =	ssyncset.done $0x0  }
0x95: {  	s6 =	sld [smem:$0x12];
	[sflag:s4] =	ssyncadd.s32 $0xFFFFFFFF  }
0x96: {  	s17 =	sld [smem:$0x13];
	(tm) =	ssettm $0x1  }
0x97: {  	s7 =	sld [smem:$0x3FFB];
	_ =	sdelay $0x3  }
0x98: {  	_ =	strace s7  }
0x99: {  	s7 =	sld [smem:$0x3FFC];
	_ =	sdelay $0x3  }
0x9a: {  	_ =	strace s7  }
0x9b: {  	s7 =	sld [smem:$0x3FFD];
	_ =	sdelay $0x3  }
0x9c: {  	_ =	strace s7  }
0x9d: {  	_ =	strace $0x8FFFFFFF  }
0x9e: {  	s18 =	sld [smem:$0x3FDB];
	_ =	sdelay $0x1  }
0x9f: {  	s8 =	simm.s32 $_scs_section_size  }
0xa0: {  	s9 =	simm.s32 $_size__tile_overlayer_lowered;
	s10 =	simm.s32 $_tile_overlayer_lowered  }
0xa1: {  	s21 =	simm.s32 $0x1BFF;
	s20 =	sshll.u32 s10, $0x1;
	s7 =	sadd.s32 s8, s18  }
0xa2: {  	s11 =	simm.s32 $0x0;
	s19 =	sshll.u32 s9, $0x1;
	s9 =	sadd.s32 s20, s7  }
0xa3: {  	[timem:s11], [sflag:s21] =	dma.local [hbm:s9], s19  }
0xa4: {  	_ =	swait.ge [sflag:s21], s19  }
0xa5: {  	s8 =	ssub.s32 $0x0, s19;
	[sflag:s21] =	ssyncset.done $0x0  }
0xa6: {  	[sflag:s21] =	ssyncadd.s32 s8;
	_ =	sdelay $0x1  }
0xa7: {  	s22 =	simm.s32 $0x1B8B  }
0xa8: {  	_ =	swait.ge [sflag:s22], $0x1  }
0xa9: {  	[sflag:s22] =	ssyncset.done $0x0  }
0xaa: {  	s23 =	simm.s32 $0x1B8E;
	[sflag:s22] =	ssyncadd.s32 $0xFFFFFFFF  }
0xab: {  	s24 =	simm.s32 $execute0_lowered;
	[smem:$0x3FD2] =	sst s23  }
0xac: {  	s8 =	sshll.u32 s24, $0x1;
	_ =	strace $0x80000046;
	[dreg:$0x1] =	wrdreg $0xFFFFFFFF  }
0xad: {  	s25 =	simm.s32 $_size_execute0_lowered;
	s7 =	sadd.s32 s7, s8;
	[dreg:$0x0] =	wrdreg $0x0  }
0xae: {  	s8 =	sshll.u32 s25, $0x1;
	[dreg:$0x2] =	wrdreg s7  }
0xaf: {  	[dreg:$0x3] =	wrdreg s8  }
0xb0: {  	[dreg:$0x4] =	wrdreg $0xC0  }
0xb1: {  	_ =	task [dreg:s11], $0x5FFFF  }
0xb2: {  	[dreg:$0x1] =	wrdreg $0xFFFFFFFF  }
0xb3: {  	[dreg:$0x0] =	wrdreg $0x60  }
0xb4: {  	[dreg:$0x2] =	wrdreg s3  }
0xb5: {  	[dreg:$0x3] =	wrdreg s2  }
0xb6: {  	[dreg:$0x4] =	wrdreg s14  }
0xb7: {  	[dreg:$0x5] =	wrdreg s15  }
0xb8: {  	[dreg:$0x6] =	wrdreg s16  }
0xb9: {  	[dreg:$0x7] =	wrdreg s6  }
0xba: {  	[dreg:$0x8] =	wrdreg s17  }
0xbb: {  	[dreg:$0x9] =	wrdreg $0x9  }
0xbc: {  	_ =	task.clear_ibuf [dreg:s11], $0xAFFFF;
	_ =	strace $0x90000046  }
0xbd: {  	s26 =	simm.s32 $0x9;
	_ =	strace $0x80000048  }
0xbe: {  	_ =	swait.ge [sflag:s26], $0x1  }
0xbf: {  	[sflag:s26] =	ssyncadd.s32 $0xFFFFFFFF  }
0xc0: {  	_ =	strace $0x90000048  }
0xc1: {  	_ =	sfence  }
0xc2: {  	s28 =	sld [smem:$0x0];
	_ =	sdelay $0x1  }
0xc3: {  	s29 =	srdreg.scid  }
0xc4: {  	s30 =	sshll.u32 s29, $0xD;
	s31 =	sshrl.u32 s29, $0x2  }
0xc5: {  	s1 =	sand.u32 $0x1, s29;
	s2 =	sand.u32 $0x4000, s30;
	s0 =	sadd.s32 s31, s28  }
0xc6: {  	s1 =	sor.u32 s2, s1;
	s0 =	sshll.u32 s0, $0x11  }
0xc7: {  	s0 =	sor.u32 s0, s1  }
0xc8: {  	s0 =	sadd.s32 $0x8F2B, s0  }
0xc9: {  	[sflag:s0] =	ssyncadd.remote.s32 $0x1  }
0xca: {  	_ =	sfence.sel $0xFFFF  }
0xcb: {  	[dreg:$0x0] =	wrdreg $0xFFFFFFFF;
	(pc) =	sbr.abs _section_cstart, $3  }
0xcc: {  	[dreg:$0x1] =	wrdreg $0xFFFFFFFF  }
0xcd: {  	_ =	task.clear_ibuf [dreg:s11], $0x2FFFF;
	_ =	strace $0x9FFFFFFF  }
0xce: {  	(tm) =	ssettm $0x7FFFFFFF  }
0xcf: {  	_ =	shalt  }
tec
execute0_lowered:
.L_overlay_start_1:
0x0: {  	(tag) =	ssettag $0x1  }
0x1: {  	s7 =	rddreg [dreg:$0x0]  }
0x2: {  	s8 =	rddreg [dreg:$0x1]  }
0x3: {  	s9 =	rddreg [dreg:$0x2]  }
0x4: {  	s2 =	rddreg [dreg:$0x3]  }
0x5: {  	s5 =	rddreg [dreg:$0x4]  }
0x6: {  	s4 =	rddreg [dreg:$0x5]  }
0x7: {  	s3 =	rddreg [dreg:$0x6]  }
0x8: {  	s0 =	rddreg [dreg:$0x7];
	s10 =	simm.s32 $0x0;
	s1 =	stileid.u32  }
0x9: {  	[smem:$0x7FF] =	sst s10;
	s6 =	sshll.u32 s1, $0x7  }
0xa: {  	s11 =	simm.s32 $0x200;
	_ =	strace $0x80000047;
	s9 =	sadd.s32 s9, s6  }
0xb: {  	[tilespmem:s11], [sflag:$0x1] =	stream.linear.gather [hbm4b:s9+s10], $0x400, $0x38;
	[tilespmem:$0x1E00] =	vst v63  }
0xc: {  	_ = 	snop  }
0xd: {  	v0 =	vimm.s32 $0x85058404;
	v1 =	vimm.s32 $0x87078606;
	[tilespmem:s10], [sflag:$0x1] =	stream.linear.gather [hbm4b:s7+s10], $0x100, $0x38;
	[tilespmem:$0x1E00] =	vst v63  }
0xe: {  	s21 =	simm.s32 $0x100;
	v2 =	vimm.s32 $0x81018000;
	v3 =	vimm.s32 $0x83038202;
	s22 =	simm.s32 $0x1;
	v0 =	vunpack.c.0.s8.s32 v0  }
0xf: {  	v1 =	vunpack.c.0.s8.s32 v1;
	v2 =	vunpack.c.0.s8.s32 v2;
	v3 =	vunpack.c.0.s8.s32 v3;
	[tilespmem:s21], [sflag:$0x1] =	stream.linear.gather [hbm4b:s8+s10], $0x80, $0x38;
	[tilespmem:$0x1E00] =	vst v63  }
0x10: {  	vm0 =	vcmask $0x1F10;
	_ =	swait.ge [sflag:s22], $0x400  }
0x11: {  	v0 =	vsel vm0, v1, v0;
	v1 =	vsel vm0, v3, v2;
	[sflag:s22] =	ssyncset.done $0x0  }
0x12: {  	v0 =	vcombine.low v1, v0;
	[sflag:s22] =	ssyncadd.s32 $0xFFFFFC00  }
0x13: {  	_ =	swait.ge [sflag:s22], $0x100  }
0x14: {  	v1 =	vlaneseq.u32;
	v0 =	vand.u32 $0xFF, v0;
	[sflag:s22] =	ssyncset.done $0x0  }
0x15: {  	v1 =	vand.u32 $0x1, v1;
	[sflag:s22] =	ssyncadd.s32 $0xFFFFFF00  }
0x16: {  	_ =	swait.ge [sflag:s22], $0x80  }
0x17: {  	[sflag:s22] =	ssyncset.done $0x0  }
0x18: {  	[sflag:s22] =	ssyncadd.s32 $0xFFFFFF80  }
0x19: {  	v0 =	vld.idx.msk [tilespmem:v0+s10+$0x0], $0xffff  }
0x1a: {  	v1 =	vld.idx.msk [tilespmem:v1+s21+$0x0], $0xffff;
	_ =	sdelay $0x4  }
0x1b: {  	v0 =	vadd.f32 v1, v0;
	_ =	sdelay $0x1  }
0x1c: {  	s23 =	simm.s32 $0x210;
	[tilespmem:$0x180] =	vst v0  }
0x1d: {  	v0 =	vld [tilespmem:s23+$0xFFFFFFF0]  }
0x1e: {  	v1 =	vld [tilespmem:s23+$0x0];
	_ =	sdelay $0x3  }
0x1f: {  	v0 =	vshll.u32 v0, $0x1  }
0x20: {  	v1 =	vshll.u32 v1, $0x1  }
0x21: {  	s24 =	simm.s32 $0x230;
	v2 =	vor.u32 $0x1, v1  }
0x22: {  	v4 =	vld [tilespmem:s24+$0xFFFFFFF0];
	v3 =	vor.u32 $0x1, v0  }
0x23: {  	s25 =	simm.s32 $0x0;
	s7 =	simm.s32 $0x180;
	v5 =	vld [tilespmem:s24+$0x0]  }
0x24: {  	s9 =	sand.u32 $0xFFFFFF80, s25;
	v0 =	vld.idx.msk [tilespmem:v0+s7+$0x0], $0xffff  }
0x25: {  	s26 =	simm.s32 $0x0;
	s9 =	ssub.s32 $0x0, s9;
	v1 =	vld.idx.msk [tilespmem:v1+s7+$0x0], $0xffff  }
0x26: {  	s11 =	sand.u32 $0xFFFFFF00, s26;
	s9 =	sand.u32 $0xFFFFFF80, s9;
	v2 =	vld.idx.msk [tilespmem:v2+s7+$0x0], $0xffff  }
0x27: {  	s28 =	simm.s32 $0x10;
	s9 =	sadd.s32 s11, s9;
	s10 =	sand.u32 $0x60, s10;
	v3 =	vld.idx.msk [tilespmem:v3+s7+$0x0], $0xffff  }
0x28: {  	s29 =	sand.u32 $0x70, s28;
	s12 =	sor.u32 s10, s9;
	v4 =	vshll.u32 v4, $0x1  }
0x29: {  	s30 =	sadd.s32 $0x80, s9;
	s18 =	sor.u32 s29, s9;
	v7 =	vor.u32 $0x1, v4;
	[tilespmem:s12+$0x600] =	vst v0  }
0x2a: {  	s17 =	sor.u32 s29, s30;
	[tilespmem:s18+$0x600] =	vst v1  }
0x2b: {  	s31 =	sor.u32 s10, s30;
	v5 =	vshll.u32 v5, $0x1;
	[tilespmem:s17+$0x600] =	vst v2  }
0x2c: {  	s13 =	simm.s32 $0x2;
	s15 =	simm.s32 $0x2;
	s16 =	simm.s32 $0x250;
	v6 =	vor.u32 $0x1, v5;
	v0 =	vimm.f32 $5.000000000e-01;
	[tilespmem:s31+$0x600] =	vst v3  }
0x2d: {  	s14 =	simm.s32 $0x1A10;
	s11 =	simm.s32 $0x1610;
	s8 =	simm.s32 $0x1A10;
	v4 =	vld.idx.msk [tilespmem:v4+s7+$0x0], $0xffff;
	[tilespmem:s12+$0xE00] =	vst v0  }
0x2e: {  	s10 =	simm.s32 $0x40;
	s9 =	simm.s32 $0x1630;
	v1 =	vimm.f32 $0.0e+00;
	v2 =	vimm.f32 $1.000000000e+00;
	v3 =	vld.idx.msk [tilespmem:v7+s7+$0x0], $0xffff;
	s12 =	simm.s32 $0x20;
	[tilespmem:s31+$0xE00] =	vst v0  }
.LBB2_1:
0x2f: {  	s13 =	sadd.s32 $0x2, s13;
	v7 =	vld [tilespmem:s16+$0xFFFFFFF0];
	s19 =	sshll.u32 s15, $0x4;
	[tilespmem:s18+$0xE00] =	vst v0;
	s8 =	sadd.s32 $0x20, s8  }
0x30: {  	s18 =	sshll.u32 s13, $0x5;
	p0 =	slt.u32 s13, $0x3E;
	s19 =	sand.u32 $0xFFFFFF80, s19;
	v5 =	vld.idx.msk [tilespmem:v5+s7+$0x0], $0xffff;
	[tilespmem:s17+$0xE00] =	vst v0  }
0x31: {  	s17 =	ssub.s32 s12, s19;
	v6 =	vld.idx.msk [tilespmem:v6+s7+$0x0], $0xffff;
	[tilespmem:s11+$0xFFFFFFF0] =	vst v2  }
0x32: {  	s19 =	sand.u32 $0xFFFFFF00, s10;
	s10 =	smov.u32 s18;
	v8 =	vld [tilespmem:s16+$0x0];
	s17 =	sand.u32 $0xFFFFFF80, s17;
	[tilespmem:s14+$0xFFFFFFF0] =	vst v1  }
0x33: {  	s20 =	sand.u32 $0x60, s12;
	s18 =	sadd.s32 $0x10, s12;
	s17 =	sadd.s32 s19, s17;
	[tilespmem:s11+$0x0] =	vst v2  }
0x34: {  	s22 =	sand.u32 $0x70, s18;
	v7 =	vshll.u32 v7, $0x1;
	s19 =	sor.u32 s20, s17;
	s21 =	sadd.s32 $0x80, s17;
	[tilespmem:s14+$0x0] =	vst v1  }
0x35: {  	s11 =	smov.u32 s9;
	s18 =	sor.u32 s22, s17;
	s14 =	smov.u32 s8;
	v9 =	vor.u32 $0x1, v7;
	[tilespmem:s19+$0x600] =	vst v4  }
.Ltmp0:
0x36: {  	s17 =	sor.u32 s22, s21;
	[tilespmem:s18+$0x600] =	vst v5;
	(pc) =	sbr.rel @p0 .LBB2_1-.Ltmp0, $4  }
0x37: {  	s20 =	sor.u32 s20, s21;
	v5 =	vshll.u32 v8, $0x1;
	[tilespmem:s17+$0x600] =	vst v6  }
0x38: {  	s15 =	sadd.s32 $0x2, s15;
	v6 =	vor.u32 $0x1, v5;
	[tilespmem:s20+$0x600] =	vst v3  }
0x39: {  	v4 =	vld.idx.msk [tilespmem:v7+s7+$0x0], $0xffff;
	[tilespmem:s19+$0xE00] =	vst v0  }
0x3a: {  	s12 =	sadd.s32 $0x20, s12;
	s16 =	sadd.s32 $0x20, s16;
	s9 =	sadd.s32 $0x20, s9;
	v3 =	vld.idx.msk [tilespmem:v9+s7+$0x0], $0xffff;
	[tilespmem:s20+$0xE00] =	vst v0  }
0x3b: {  	_ =	sdelay $0x1  }
0x3c: {  	s13 =	sshll.u32 s15, $0x4;
	[tilespmem:s18+$0xE00] =	vst v0  }
0x3d: {  	[tilespmem:s11+$0xFFFFFFF0] =	vst v2;
	s13 =	sand.u32 $0xFFFFFF80, s13  }
0x3e: {  	v5 =	vld.idx.msk [tilespmem:v5+s7+$0x0], $0xffff;
	[tilespmem:s17+$0xE00] =	vst v0;
	s13 =	ssub.s32 s12, s13  }
0x3f: {  	v6 =	vld.idx.msk [tilespmem:v6+s7+$0x0], $0xffff;
	s10 =	sand.u32 $0xFFFFFF00, s10;
	[tilespmem:s14+$0xFFFFFFF0] =	vst v1;
	s18 =	sand.u32 $0xFFFFFF80, s13  }
0x40: {  	s19 =	sand.u32 $0x60, s12;
	s20 =	sadd.s32 $0x10, s12;
	[tilespmem:s11+$0x0] =	vst v2;
	s7 =	sadd.s32 s10, s18  }
0x41: {  	[tilespmem:s14+$0x0] =	vst v1;
	s10 =	sand.u32 $0x70, s20;
	s21 =	sor.u32 s19, s7  }
0x42: {  	s22 =	sadd.s32 $0x80, s7;
	s7 =	sor.u32 s10, s7;
	[tilespmem:s21+$0x600] =	vst v4  }
0x43: {  	[tilespmem:s7+$0x600] =	vst v5;
	s10 =	sor.u32 s10, s22  }
0x44: {  	s12 =	sor.u32 s19, s22;
	[tilespmem:s10+$0x600] =	vst v6  }
0x45: {  	[tilespmem:s12+$0x600] =	vst v3  }
0x46: {  	[tilespmem:s21+$0xE00] =	vst v0  }
0x47: {  	[tilespmem:s7+$0xE00] =	vst v0  }
0x48: {  	[tilespmem:s12+$0xE00] =	vst v0  }
0x49: {  	[tilespmem:s10+$0xE00] =	vst v0  }
0x4a: {  	[tilespmem:s9+$0xFFFFFFF0] =	vst v2  }
0x4b: {  	s23 =	sadd.s32 $0x20, s8;
	[tilespmem:s9+$0x0] =	vst v2  }
0x4c: {  	s24 =	sshll.u32 s1, $0x8;
	[tilespmem:s23+$0xFFFFFFF0] =	vst v1  }
0x4d: {  	s25 =	simm.s32 $0x0;
	s26 =	simm.s32 $0xE00;
	s5 =	sadd.s32 s5, s24;
	[tilespmem:s23+$0x0] =	vst v1  }
0x4e: {  	[hbm4b:s5+s25] =	stream.linear.scatter [tilespmem:s26], [sflag:$0x2], $0x800, $0x38;
	[tilespmem:$0x1E00] =	vst v63  }
0x4f: {  	s4 =	sadd.s32 s4, s6;
	s28 =	simm.s32 $0x1600  }
0x50: {  	[hbm4b:s4+s25] =	stream.linear.scatter [tilespmem:s28], [sflag:$0x2], $0x400, $0x38;
	[tilespmem:$0x1E00] =	vst v63  }
0x51: {  	s3 =	sadd.s32 s3, s6;
	s29 =	simm.s32 $0x1A00  }
0x52: {  	[hbm4b:s3+s25] =	stream.linear.scatter [tilespmem:s29], [sflag:$0x2], $0x400, $0x38;
	[tilespmem:$0x1E00] =	vst v63  }
0x53: {  	s30 =	simm.s32 $0x600;
	s31 =	simm.s32 $0x2;
	s2 =	sadd.s32 s2, s24  }
0x54: {  	[hbm4b:s2+s25] =	stream.linear.scatter [tilespmem:s30], [sflag:$0x2], $0x800, $0x38;
	[tilespmem:$0x1E00] =	vst v63  }
0x55: {  	_ =	swait.ge [sflag:s31], $0x800  }
0x56: {  	[sflag:s31] =	ssyncset.done $0x0  }
0x57: {  	[sflag:s31] =	ssyncadd.s32 $0xFFFFF800  }
0x58: {  	_ =	swait.ge [sflag:s31], $0x400  }
0x59: {  	[sflag:s31] =	ssyncset.done $0x0  }
0x5a: {  	[sflag:s31] =	ssyncadd.s32 $0xFFFFFC00  }
0x5b: {  	_ =	swait.ge [sflag:s31], $0x400  }
0x5c: {  	[sflag:s31] =	ssyncset.done $0x0  }
0x5d: {  	[sflag:s31] =	ssyncadd.s32 $0xFFFFFC00  }
0x5e: {  	_ =	swait.ge [sflag:s31], $0x800  }
0x5f: {  	[sflag:s31] =	ssyncset.done $0x0  }
0x60: {  	[sflag:s31] =	ssyncadd.s32 $0xFFFFF800  }
0x61: {  	_ =	sfence.sel $0x180000  }
0x62: {  	[bflag:$0x0] =	sbarrier.arrive $0xFFFF  }
0x63: {  	p0 =	sne.s32 s1, $0x0;
	_ =	strace $0x90000047  }
0x64: {  	s0 =	sadd.s32 @!p0 $0x100000, s0;
	[bflag:$0x2] =	sbarrier.arrive $0xFFFF  }
0x65: {  	[sflag:s0] =	ssyncadd.tile.s32 @!p0 $0x1;
	_ =	shalt  }
.Lfunc_end2:
_tile_overlayer_lowered:
.L_overlay_start_2:
0x66: {  	(tag) =	ssettag $0x2  }
0x67: {  	s0 =	rddreg [dreg:$0x0];
	s2 =	stileid.u32  }
0x68: {  	s1 =	rddreg [dreg:$0x1];
	p0 =	sne.s32 s2, $0x0  }
0x69: {  	s3 =	rddreg [dreg:$0x2];
	[bflag:$0x3] =	sbarrier.arrive $0xFFFF;
	s2 =	simm.s32 @!p0 $0x1C03  }
0x6a: {  	[timem:s3], [sflag:s2] =	dma.local @!p0 [hbm:s0], s1  }
0x6b: {  	s0 =	simm.s32 @!p0 $0x3  }
0x6c: {  	_ =	swait.ge @!p0 [sflag:s0], s1  }
0x6d: {  	s1 =	ssub.s32 @!p0 $0x0, s1;
	[sflag:s0] =	ssyncset.done @!p0 $0x0  }
0x6e: {  	[sflag:s0] =	ssyncadd.s32 @!p0 s1  }
0x6f: {  	[bflag:$0x3] =	sbarrier.arrive $0xFFFF  }
0x70: {  	_ =	shalt  }

</sc_bundles>
